<compile_context>
chip_gen: v7x
topology: tpu7x:2x2x1
jax: 0.10.2.dev20260603
libtpu: 0.0.44.dev20260713+nightly
codegen_flags: <defaults>
</compile_context>

<pallas_src>
import jax
import jax.numpy as jnp
from jax import lax
from jax.experimental import pallas as pl
from jax.experimental.pallas import tpu as pltpu
from jax.experimental.pallas import tpu_sc as plsc

N_NODES_ = 100000
MAXD = 32
NS_OUT = 25
BATCH = 16384
NPASS = 2
CHUNK = BATCH // NPASS
UNROLL = 8

_PERM = [31, 7, 4, 29, 16, 19, 2, 5, 30, 3, 22, 6, 18, 10, 11, 15,
         20, 8, 24, 9, 25, 13, 14, 17, 23, 0, 21, 26, 1, 28, 27, 12]

_mesh = plsc.VectorSubcoreMesh(core_axis_name="c", subcore_axis_name="s")


def _nbr_body(adjt_hbm, ids_hbm, out1_hbm, out2_hbm,
              row_v, idx_v, val_v, rsem, isem, osem):
    c = lax.axis_index("c")
    sid = lax.axis_index("s")
    jout = 2 * sid + c

    @pl.when(jout < NS_OUT)
    def _work():
        pj = jnp.int32(0)
        for k in range(13):
            e = _PERM[2 * k] if 2 * k < NS_OUT else 0
            o = _PERM[2 * k + 1] if 2 * k + 1 < NS_OUT else 0
            cand = jnp.where(c == 0, jnp.int32(e), jnp.int32(o))
            pj = jnp.where(sid == k, cand, pj)

        pltpu.async_copy(adjt_hbm.at[pl.ds(pj, 1)], row_v.at[0], rsem)
        pltpu.async_copy(ids_hbm.at[pl.ds(0, CHUNK)], idx_v.at[0], isem)
        pltpu.async_copy(ids_hbm.at[pl.ds(CHUNK, CHUNK)], idx_v.at[1], isem)
        pltpu.make_async_copy(adjt_hbm.at[pl.ds(pj, 1)], row_v.at[0],
                              rsem).wait()

        for p in range(NPASS):
            pltpu.make_async_copy(ids_hbm.at[pl.ds(p * CHUNK, CHUNK)],
                                  idx_v.at[p], isem).wait()
            if p == 1:
                pltpu.make_async_copy(val_v.at[0],
                                      out1_hbm.at[pl.ds(jout, 1),
                                                  pl.ds(0, CHUNK)],
                                      osem).wait()
                pltpu.make_async_copy(val_v.at[0],
                                      out2_hbm.at[pl.ds(jout, 1),
                                                  pl.ds(0, CHUNK)],
                                      osem).wait()

            @plsc.parallel_loop(0, CHUNK // 16, unroll=UNROLL)
            def _gather(g, p=p):
                off = g * 16
                ivec = idx_v[p, pl.ds(off, 16)]
                zero = jnp.zeros((16,), jnp.int32)
                val_v[0, 0, pl.ds(off, 16)] = plsc.load_gather(
                    row_v, [zero, zero, ivec])
            pltpu.async_copy(val_v.at[0],
                             out1_hbm.at[pl.ds(jout, 1),
                                         pl.ds(p * CHUNK, CHUNK)], osem)
            pltpu.async_copy(val_v.at[0],
                             out2_hbm.at[pl.ds(jout, 1),
                                         pl.ds(p * CHUNK, CHUNK)], osem)

        pltpu.make_async_copy(val_v.at[0],
                              out1_hbm.at[pl.ds(jout, 1),
                                          pl.ds(CHUNK, CHUNK)], osem).wait()
        pltpu.make_async_copy(val_v.at[0],
                              out2_hbm.at[pl.ds(jout, 1),
                                          pl.ds(CHUNK, CHUNK)], osem).wait()


_nbr_call = pl.kernel(
    _nbr_body,
    out_type=(jax.ShapeDtypeStruct((NS_OUT, BATCH), jnp.int32),
              jax.ShapeDtypeStruct((NS_OUT, BATCH), jnp.int32)),
    mesh=_mesh,
    scratch_types=[
        pltpu.VMEM((1, 1, N_NODES_), jnp.int32),
        pltpu.VMEM((2, CHUNK), jnp.int32),
        pltpu.VMEM((1, 1, CHUNK), jnp.int32),
        pltpu.SemaphoreType.DMA,
        pltpu.SemaphoreType.DMA,
        pltpu.SemaphoreType.DMA,
    ],
    compiler_params=pltpu.CompilerParams(
        needs_layout_passes=False, use_tc_tiling_on_sc=True),
)


def kernel(adj_info, ids, num_samples):
    del num_samples
    out1t, out2t = _nbr_call(adj_info.T, ids)
    return (out1t.T, out2t.T)

# --- scband reference (transcript-rebuilt; emitter-appended) ---
"""Pipeline reference for scband-uniform-neighbor-sampler-48825188221530 (READ-ONLY COPY).

The authoritative reference and input builder live on the scoring server;
editing this copy changes nothing except your own understanding.
"""

import jax, jax.numpy as jnp
import numpy as np

N_NODES = 100000
MAX_DEGREE = 32
BATCH = 16384
NUM_SAMPLES = 25


def setup_inputs(seed: int = 0) -> dict:
    key = jax.random.key(seed)
    k1, k2 = jax.random.split(key)
    # Padded adjacency lists: adj_info[v] = up-to-32 neighbor ids of node v (padded by resampling).
    adj_info = jax.random.randint(k1, (N_NODES, MAX_DEGREE), 0, N_NODES, dtype=jnp.int32)
    ids = jax.random.randint(k2, (BATCH,), 0, N_NODES, dtype=jnp.int32)
    return {"adj_info": adj_info, "ids": ids, "num_samples": NUM_SAMPLES}


def reference(adj_info, ids, num_samples):
    # tf.nn.embedding_lookup(adj_info, ids) -> gather rows of the adjacency table
    adj_lists = jnp.take(adj_info, ids, axis=0)  # [B, MAX_DEGREE]
    # tf.transpose(tf.random_shuffle(tf.transpose(adj_lists))): shuffle the neighbor
    # (column) axis with a single random permutation shared across all rows.
    perm = jax.random.permutation(jax.random.key(42), adj_lists.shape[1])
    shuffled = adj_lists[:, perm]
    # tf.slice(..., [0, 0], [-1, num_samples]): keep first num_samples shuffled neighbors
    start = num_samples - NUM_SAMPLES
    adj_out = jax.lax.dynamic_slice_in_dim(shuffled, start, NUM_SAMPLES, axis=1)
    # The (buggy) layer derives weights from the same adjacency values, shuffled identically.
    weights_out = adj_out
    return (adj_out, weights_out)

if __name__ == "__main__":
    import jax
    _d = setup_inputs()
    print(jax.jit(kernel)(*tuple(_d.values())))

</pallas_src>

<mosaic_0001>
#map = affine_map<(d0, d1) -> (0, 0)>
#map1 = affine_map<(d0, d1) -> (0)>
module attributes {stable_mosaic.version = 14 : i64} {
  func.func @_nbr_body(%arg0: i32, %arg1: i32, %arg2: memref<32x100000xi32, #tpu.memory_space<hbm>>, %arg3: memref<16384xi32, #tpu.memory_space<hbm>>, %arg4: memref<25x16384xi32, #tpu.memory_space<hbm>>, %arg5: memref<25x16384xi32, #tpu.memory_space<hbm>>, %arg6: memref<1x1x100000xi32, #tpu.memory_space<vmem>>, %arg7: memref<2x8192xi32, #tpu.memory_space<vmem>>, %arg8: memref<1x1x8192xi32, #tpu.memory_space<vmem>>, %arg9: memref<!tpu.dma_semaphore, #tpu.memory_space<semaphore_mem>>, %arg10: memref<!tpu.dma_semaphore, #tpu.memory_space<semaphore_mem>>, %arg11: memref<!tpu.dma_semaphore, #tpu.memory_space<semaphore_mem>>) attributes {dimension_semantics = [#tpu.dimension_semantics<core_parallel>, #tpu.dimension_semantics<subcore_parallel>], iteration_bounds = array<i64: 2, 16>, scalar_prefetch = 0 : i64, scratch_operands = 6 : i64, tpu.core_type = #tpu.core_type<sc_vector_subcore>, window_params = [{transform_indices = #map}, {transform_indices = #map1}, {transform_indices = #map}, {transform_indices = #map}]} {
    %mul3A = arith.constant 2 : i32
    %mul3A_0 = arith.muli %mul3A, %arg1 : i32
    %add3A = arith.addi %mul3A_0, %arg0 : i32
    %lt3A = arith.constant 25 : i32
    %lt3A_1 = arith.cmpi slt, %add3A, %lt3A : i32
    %convert_element_type3A = arith.extui %lt3A_1 : i1 to i32
    %cond3A = arith.constant 0 : i32
    %cond3A_2 = arith.cmpi ne, %convert_element_type3A, %cond3A : i32
    scf.if %cond3A_2 {
      %eq3A = arith.constant 0 : i32
      %eq3A_3 = arith.cmpi eq, %arg0, %eq3A : i32
      %jit3A = arith.constant 31 : i32
      %jit3A_4 = arith.constant 7 : i32
      %select_n3A = arith.select %eq3A_3, %jit3A, %jit3A_4 : i32
      %eq3A_5 = arith.constant 0 : i32
      %eq3A_6 = arith.cmpi eq, %arg1, %eq3A_5 : i32
      %jit3A_7 = arith.constant 0 : i32
      %select_n3A_8 = arith.select %eq3A_6, %select_n3A, %jit3A_7 : i32
      %eq3A_9 = arith.constant 0 : i32
      %eq3A_10 = arith.cmpi eq, %arg0, %eq3A_9 : i32
      %jit3A_11 = arith.constant 4 : i32
      %jit3A_12 = arith.constant 29 : i32
      %select_n3A_13 = arith.select %eq3A_10, %jit3A_11, %jit3A_12 : i32
      %eq3A_14 = arith.constant 1 : i32
      %eq3A_15 = arith.cmpi eq, %arg1, %eq3A_14 : i32
      %select_n3A_16 = arith.select %eq3A_15, %select_n3A_13, %select_n3A_8 : i32
      %eq3A_17 = arith.constant 0 : i32
      %eq3A_18 = arith.cmpi eq, %arg0, %eq3A_17 : i32
      %jit3A_19 = arith.constant 16 : i32
      %jit3A_20 = arith.constant 19 : i32
      %select_n3A_21 = arith.select %eq3A_18, %jit3A_19, %jit3A_20 : i32
      %eq3A_22 = arith.constant 2 : i32
      %eq3A_23 = arith.cmpi eq, %arg1, %eq3A_22 : i32
      %select_n3A_24 = arith.select %eq3A_23, %select_n3A_21, %select_n3A_16 : i32
      %eq3A_25 = arith.constant 0 : i32
      %eq3A_26 = arith.cmpi eq, %arg0, %eq3A_25 : i32
      %jit3A_27 = arith.constant 2 : i32
      %jit3A_28 = arith.constant 5 : i32
      %select_n3A_29 = arith.select %eq3A_26, %jit3A_27, %jit3A_28 : i32
      %eq3A_30 = arith.constant 3 : i32
      %eq3A_31 = arith.cmpi eq, %arg1, %eq3A_30 : i32
      %select_n3A_32 = arith.select %eq3A_31, %select_n3A_29, %select_n3A_24 : i32
      %eq3A_33 = arith.constant 0 : i32
      %eq3A_34 = arith.cmpi eq, %arg0, %eq3A_33 : i32
      %jit3A_35 = arith.constant 30 : i32
      %jit3A_36 = arith.constant 3 : i32
      %select_n3A_37 = arith.select %eq3A_34, %jit3A_35, %jit3A_36 : i32
      %eq3A_38 = arith.constant 4 : i32
      %eq3A_39 = arith.cmpi eq, %arg1, %eq3A_38 : i32
      %select_n3A_40 = arith.select %eq3A_39, %select_n3A_37, %select_n3A_32 : i32
      %eq3A_41 = arith.constant 0 : i32
      %eq3A_42 = arith.cmpi eq, %arg0, %eq3A_41 : i32
      %jit3A_43 = arith.constant 22 : i32
      %jit3A_44 = arith.constant 6 : i32
      %select_n3A_45 = arith.select %eq3A_42, %jit3A_43, %jit3A_44 : i32
      %eq3A_46 = arith.constant 5 : i32
      %eq3A_47 = arith.cmpi eq, %arg1, %eq3A_46 : i32
      %select_n3A_48 = arith.select %eq3A_47, %select_n3A_45, %select_n3A_40 : i32
      %eq3A_49 = arith.constant 0 : i32
      %eq3A_50 = arith.cmpi eq, %arg0, %eq3A_49 : i32
      %jit3A_51 = arith.constant 18 : i32
      %jit3A_52 = arith.constant 10 : i32
      %select_n3A_53 = arith.select %eq3A_50, %jit3A_51, %jit3A_52 : i32
      %eq3A_54 = arith.constant 6 : i32
      %eq3A_55 = arith.cmpi eq, %arg1, %eq3A_54 : i32
      %select_n3A_56 = arith.select %eq3A_55, %select_n3A_53, %select_n3A_48 : i32
      %eq3A_57 = arith.constant 0 : i32
      %eq3A_58 = arith.cmpi eq, %arg0, %eq3A_57 : i32
      %jit3A_59 = arith.constant 11 : i32
      %jit3A_60 = arith.constant 15 : i32
      %select_n3A_61 = arith.select %eq3A_58, %jit3A_59, %jit3A_60 : i32
      %eq3A_62 = arith.constant 7 : i32
      %eq3A_63 = arith.cmpi eq, %arg1, %eq3A_62 : i32
      %select_n3A_64 = arith.select %eq3A_63, %select_n3A_61, %select_n3A_56 : i32
      %eq3A_65 = arith.constant 0 : i32
      %eq3A_66 = arith.cmpi eq, %arg0, %eq3A_65 : i32
      %jit3A_67 = arith.constant 20 : i32
      %jit3A_68 = arith.constant 8 : i32
      %select_n3A_69 = arith.select %eq3A_66, %jit3A_67, %jit3A_68 : i32
      %eq3A_70 = arith.constant 8 : i32
      %eq3A_71 = arith.cmpi eq, %arg1, %eq3A_70 : i32
      %select_n3A_72 = arith.select %eq3A_71, %select_n3A_69, %select_n3A_64 : i32
      %eq3A_73 = arith.constant 0 : i32
      %eq3A_74 = arith.cmpi eq, %arg0, %eq3A_73 : i32
      %jit3A_75 = arith.constant 24 : i32
      %jit3A_76 = arith.constant 9 : i32
      %select_n3A_77 = arith.select %eq3A_74, %jit3A_75, %jit3A_76 : i32
      %eq3A_78 = arith.constant 9 : i32
      %eq3A_79 = arith.cmpi eq, %arg1, %eq3A_78 : i32
      %select_n3A_80 = arith.select %eq3A_79, %select_n3A_77, %select_n3A_72 : i32
      %eq3A_81 = arith.constant 0 : i32
      %eq3A_82 = arith.cmpi eq, %arg0, %eq3A_81 : i32
      %jit3A_83 = arith.constant 25 : i32
      %jit3A_84 = arith.constant 13 : i32
      %select_n3A_85 = arith.select %eq3A_82, %jit3A_83, %jit3A_84 : i32
      %eq3A_86 = arith.constant 10 : i32
      %eq3A_87 = arith.cmpi eq, %arg1, %eq3A_86 : i32
      %select_n3A_88 = arith.select %eq3A_87, %select_n3A_85, %select_n3A_80 : i32
      %eq3A_89 = arith.constant 0 : i32
      %eq3A_90 = arith.cmpi eq, %arg0, %eq3A_89 : i32
      %jit3A_91 = arith.constant 14 : i32
      %jit3A_92 = arith.constant 17 : i32
      %select_n3A_93 = arith.select %eq3A_90, %jit3A_91, %jit3A_92 : i32
      %eq3A_94 = arith.constant 11 : i32
      %eq3A_95 = arith.cmpi eq, %arg1, %eq3A_94 : i32
      %select_n3A_96 = arith.select %eq3A_95, %select_n3A_93, %select_n3A_88 : i32
      %eq3A_97 = arith.constant 0 : i32
      %eq3A_98 = arith.cmpi eq, %arg0, %eq3A_97 : i32
      %jit3A_99 = arith.constant 23 : i32
      %jit3A_100 = arith.constant 0 : i32
      %select_n3A_101 = arith.select %eq3A_98, %jit3A_99, %jit3A_100 : i32
      %eq3A_102 = arith.constant 12 : i32
      %eq3A_103 = arith.cmpi eq, %arg1, %eq3A_102 : i32
      %select_n3A_104 = arith.select %eq3A_103, %select_n3A_101, %select_n3A_96 : i32
      %dma_start3A = arith.constant 0 : i32
      %dma_start3A_105 = arith.constant 0 : i32
      %dma_start3A_106 = arith.constant 0 : i32
      %dma_start3A_107 = tpu.memref_slice %arg6[%dma_start3A, %dma_start3A_105, %dma_start3A_106] : memref<1x1x100000xi32, #tpu.memory_space<vmem>> -> memref<1x1x100000xi32, #tpu.memory_space<vmem>>
      %dma_start3A_108 = tpu.memref_squeeze %dma_start3A_107 : memref<1x1x100000xi32, #tpu.memory_space<vmem>> -> memref<1x100000xi32, #tpu.memory_space<vmem>>
      %dma_start3A_109 = arith.constant 0 : i32
      %dma_start3A_110 = tpu.memref_slice %arg2[%select_n3A_104, %dma_start3A_109] : memref<32x100000xi32, #tpu.memory_space<hbm>> -> memref<1x100000xi32, #tpu.memory_space<hbm>>
      %dma_start3A_111 = arith.constant 0 : i32
      %dma_start3A_112 = arith.constant 0 : i32
      %dma_start3A_113 = tpu.memref_slice %arg6[%dma_start3A, %dma_start3A_111, %dma_start3A_112] : memref<1x1x100000xi32, #tpu.memory_space<vmem>> -> memref<1x1x100000xi32, #tpu.memory_space<vmem>>
      %dma_start3A_114 = tpu.memref_squeeze %dma_start3A_113 : memref<1x1x100000xi32, #tpu.memory_space<vmem>> -> memref<1x100000xi32, #tpu.memory_space<vmem>>
      %dma_start3A_115 = arith.constant 0 : i32
      %dma_start3A_116 = tpu.memref_slice %arg2[%select_n3A_104, %dma_start3A_115] : memref<32x100000xi32, #tpu.memory_space<hbm>> -> memref<1x100000xi32, #tpu.memory_space<hbm>>
      tpu.enqueue_dma source(%dma_start3A_116 : memref<1x100000xi32, #tpu.memory_space<hbm>>) target(%dma_start3A_114 : memref<1x100000xi32, #tpu.memory_space<vmem>>) target_semaphore(%arg9 : memref<!tpu.dma_semaphore, #tpu.memory_space<semaphore_mem>>)
      %dma_start3A_117 = arith.constant 0 : i32
      %dma_start3A_118 = arith.constant 0 : i32
      %dma_start3A_119 = tpu.memref_slice %arg7[%dma_start3A_117, %dma_start3A_118] : memref<2x8192xi32, #tpu.memory_space<vmem>> -> memref<1x8192xi32, #tpu.memory_space<vmem>>
      %dma_start3A_120 = tpu.memref_squeeze %dma_start3A_119 : memref<1x8192xi32, #tpu.memory_space<vmem>> -> memref<8192xi32, #tpu.memory_space<vmem>>
      %dma_start3A_121 = arith.constant 0 : i32
      %dma_start3A_122 = tpu.memref_slice %arg3[%dma_start3A_121] : memref<16384xi32, #tpu.memory_space<hbm>> -> memref<8192xi32, #tpu.memory_space<hbm>>
      %dma_start3A_123 = arith.constant 0 : i32
      %dma_start3A_124 = tpu.memref_slice %arg7[%dma_start3A_117, %dma_start3A_123] : memref<2x8192xi32, #tpu.memory_space<vmem>> -> memref<1x8192xi32, #tpu.memory_space<vmem>>
      %dma_start3A_125 = tpu.memref_squeeze %dma_start3A_124 : memref<1x8192xi32, #tpu.memory_space<vmem>> -> memref<8192xi32, #tpu.memory_space<vmem>>
      %dma_start3A_126 = arith.constant 0 : i32
      %dma_start3A_127 = tpu.memref_slice %arg3[%dma_start3A_126] : memref<16384xi32, #tpu.memory_space<hbm>> -> memref<8192xi32, #tpu.memory_space<hbm>>
      tpu.enqueue_dma source(%dma_start3A_127 : memref<8192xi32, #tpu.memory_space<hbm>>) target(%dma_start3A_125 : memref<8192xi32, #tpu.memory_space<vmem>>) target_semaphore(%arg10 : memref<!tpu.dma_semaphore, #tpu.memory_space<semaphore_mem>>)
      %dma_start3A_128 = arith.constant 1 : i32
      %dma_start3A_129 = arith.constant 0 : i32
      %dma_start3A_130 = tpu.memref_slice %arg7[%dma_start3A_128, %dma_start3A_129] : memref<2x8192xi32, #tpu.memory_space<vmem>> -> memref<1x8192xi32, #tpu.memory_space<vmem>>
      %dma_start3A_131 = tpu.memref_squeeze %dma_start3A_130 : memref<1x8192xi32, #tpu.memory_space<vmem>> -> memref<8192xi32, #tpu.memory_space<vmem>>
      %dma_start3A_132 = arith.constant 8192 : i32
      %dma_start3A_133 = tpu.memref_slice %arg3[%dma_start3A_132] : memref<16384xi32, #tpu.memory_space<hbm>> -> memref<8192xi32, #tpu.memory_space<hbm>>
      %dma_start3A_134 = arith.constant 0 : i32
      %dma_start3A_135 = tpu.memref_slice %arg7[%dma_start3A_128, %dma_start3A_134] : memref<2x8192xi32, #tpu.memory_space<vmem>> -> memref<1x8192xi32, #tpu.memory_space<vmem>>
      %dma_start3A_136 = tpu.memref_squeeze %dma_start3A_135 : memref<1x8192xi32, #tpu.memory_space<vmem>> -> memref<8192xi32, #tpu.memory_space<vmem>>
      %dma_start3A_137 = arith.constant 8192 : i32
      %dma_start3A_138 = tpu.memref_slice %arg3[%dma_start3A_137] : memref<16384xi32, #tpu.memory_space<hbm>> -> memref<8192xi32, #tpu.memory_space<hbm>>
      tpu.enqueue_dma source(%dma_start3A_138 : memref<8192xi32, #tpu.memory_space<hbm>>) target(%dma_start3A_136 : memref<8192xi32, #tpu.memory_space<vmem>>) target_semaphore(%arg10 : memref<!tpu.dma_semaphore, #tpu.memory_space<semaphore_mem>>)
      %dma_wait3A = arith.constant 0 : i32
      %dma_wait3A_139 = arith.constant 0 : i32
      %dma_wait3A_140 = arith.constant 0 : i32
      %dma_wait3A_141 = tpu.memref_slice %arg6[%dma_wait3A, %dma_wait3A_139, %dma_wait3A_140] : memref<1x1x100000xi32, #tpu.memory_space<vmem>> -> memref<1x1x100000xi32, #tpu.memory_space<vmem>>
      %dma_wait3A_142 = tpu.memref_squeeze %dma_wait3A_141 : memref<1x1x100000xi32, #tpu.memory_space<vmem>> -> memref<1x100000xi32, #tpu.memory_space<vmem>>
      %dma_wait3A_143 = arith.constant 0 : i32
      %dma_wait3A_144 = tpu.memref_slice %arg2[%select_n3A_104, %dma_wait3A_143] : memref<32x100000xi32, #tpu.memory_space<hbm>> -> memref<1x100000xi32, #tpu.memory_space<hbm>>
      %dma_wait3A_145 = arith.constant 0 : i32
      %dma_wait3A_146 = arith.constant 0 : i32
      %dma_wait3A_147 = tpu.memref_slice %arg6[%dma_wait3A, %dma_wait3A_145, %dma_wait3A_146] : memref<1x1x100000xi32, #tpu.memory_space<vmem>> -> memref<1x1x100000xi32, #tpu.memory_space<vmem>>
      %dma_wait3A_148 = tpu.memref_squeeze %dma_wait3A_147 : memref<1x1x100000xi32, #tpu.memory_space<vmem>> -> memref<1x100000xi32, #tpu.memory_space<vmem>>
      %dma_wait3A_149 = arith.constant 0 : i32
      %dma_wait3A_150 = tpu.memref_slice %arg2[%select_n3A_104, %dma_wait3A_149] : memref<32x100000xi32, #tpu.memory_space<hbm>> -> memref<1x100000xi32, #tpu.memory_space<hbm>>
      tpu.wait_dma2 semaphore(%arg9 : memref<!tpu.dma_semaphore, #tpu.memory_space<semaphore_mem>>) src(%dma_wait3A_150 : memref<1x100000xi32, #tpu.memory_space<hbm>>) dst(%dma_wait3A_148 : memref<1x100000xi32, #tpu.memory_space<vmem>>)
      %dma_wait3A_151 = arith.constant 0 : i32
      %dma_wait3A_152 = arith.constant 0 : i32
      %dma_wait3A_153 = tpu.memref_slice %arg7[%dma_wait3A_151, %dma_wait3A_152] : memref<2x8192xi32, #tpu.memory_space<vmem>> -> memref<1x8192xi32, #tpu.memory_space<vmem>>
      %dma_wait3A_154 = tpu.memref_squeeze %dma_wait3A_153 : memref<1x8192xi32, #tpu.memory_space<vmem>> -> memref<8192xi32, #tpu.memory_space<vmem>>
      %dma_wait3A_155 = arith.constant 0 : i32
      %dma_wait3A_156 = tpu.memref_slice %arg3[%dma_wait3A_155] : memref<16384xi32, #tpu.memory_space<hbm>> -> memref<8192xi32, #tpu.memory_space<hbm>>
      %dma_wait3A_157 = arith.constant 0 : i32
      %dma_wait3A_158 = tpu.memref_slice %arg7[%dma_wait3A_151, %dma_wait3A_157] : memref<2x8192xi32, #tpu.memory_space<vmem>> -> memref<1x8192xi32, #tpu.memory_space<vmem>>
      %dma_wait3A_159 = tpu.memref_squeeze %dma_wait3A_158 : memref<1x8192xi32, #tpu.memory_space<vmem>> -> memref<8192xi32, #tpu.memory_space<vmem>>
      %dma_wait3A_160 = arith.constant 0 : i32
      %dma_wait3A_161 = tpu.memref_slice %arg3[%dma_wait3A_160] : memref<16384xi32, #tpu.memory_space<hbm>> -> memref<8192xi32, #tpu.memory_space<hbm>>
      tpu.wait_dma2 semaphore(%arg10 : memref<!tpu.dma_semaphore, #tpu.memory_space<semaphore_mem>>) src(%dma_wait3A_161 : memref<8192xi32, #tpu.memory_space<hbm>>) dst(%dma_wait3A_159 : memref<8192xi32, #tpu.memory_space<vmem>>)
      %parallel_loop3A = arith.constant 0 : i32
      %parallel_loop3A_162 = arith.constant 512 : i32
      %parallel_loop3A_163 = arith.constant 1 : i32
      scf.for %parallel_loop3A_282 = %parallel_loop3A to %parallel_loop3A_162 step %parallel_loop3A_163  : i32 {
        %parallel_loop3A_283 = arith.constant 16 : i32
        %parallel_loop3A_284 = arith.muli %parallel_loop3A_282, %parallel_loop3A_283 : i32
        %parallel_loop3A_285 = arith.constant 0 : i32
        %parallel_loop3A_286 = arith.index_cast %parallel_loop3A_285 : i32 to index
        %parallel_loop3A_287 = arith.index_cast %parallel_loop3A_284 : i32 to index
        %parallel_loop3A_288 = tpu.vector_load %arg7[%parallel_loop3A_286, %parallel_loop3A_287] {strides = array<i32>} : memref<2x8192xi32, #tpu.memory_space<vmem>>, vector<16xi32>,
        %parallel_loop3A_289 = arith.constant 0 : i32
        %parallel_loop3A_290 = vector.broadcast %parallel_loop3A_289 : i32 to vector<16xi32>
        %parallel_loop3A_291 = tpu.vector_load_idx %arg6[%parallel_loop3A_290, %parallel_loop3A_290, %parallel_loop3A_288] : memref<1x1x100000xi32, #tpu.memory_space<vmem>>[vector<16xi32>, vector<16xi32>, vector<16xi32>], vector<16xi32>,
        %parallel_loop3A_292 = arith.constant 0 : i32
        %parallel_loop3A_293 = arith.constant 0 : i32
        %parallel_loop3A_294 = arith.index_cast %parallel_loop3A_292 : i32 to index
        %parallel_loop3A_295 = arith.index_cast %parallel_loop3A_293 : i32 to index
        %parallel_loop3A_296 = arith.index_cast %parallel_loop3A_284 : i32 to index
        %parallel_loop3A_297 = tpu.vector_load %arg8[%parallel_loop3A_294, %parallel_loop3A_295, %parallel_loop3A_296] {strides = array<i32>} : memref<1x1x8192xi32, #tpu.memory_space<vmem>>, vector<16xi32>,
        tpu.vector_store %arg8[%parallel_loop3A_294, %parallel_loop3A_295, %parallel_loop3A_296], %parallel_loop3A_291 {strides = array<i32>} : memref<1x1x8192xi32, #tpu.memory_space<vmem>>, vector<16xi32>,
      } {sc.loop_unroll_factor = 8 : i64, sc.parallel_access}
      %dma_start3A_164 = arith.constant 0 : i32
      %dma_start3A_165 = arith.constant 0 : i32
      %dma_start3A_166 = arith.constant 0 : i32
      %dma_start3A_167 = tpu.memref_slice %arg8[%dma_start3A_164, %dma_start3A_165, %dma_start3A_166] : memref<1x1x8192xi32, #tpu.memory_space<vmem>> -> memref<1x1x8192xi32, #tpu.memory_space<vmem>>
      %dma_start3A_168 = tpu.memref_squeeze %dma_start3A_167 : memref<1x1x8192xi32, #tpu.memory_space<vmem>> -> memref<1x8192xi32, #tpu.memory_space<vmem>>
      %dma_start3A_169 = arith.constant 0 : i32
      %dma_start3A_170 = tpu.memref_slice %arg4[%add3A, %dma_start3A_169] : memref<25x16384xi32, #tpu.memory_space<hbm>> -> memref<1x8192xi32, #tpu.memory_space<hbm>>
      %dma_start3A_171 = arith.constant 0 : i32
      %dma_start3A_172 = tpu.memref_slice %arg4[%add3A, %dma_start3A_171] : memref<25x16384xi32, #tpu.memory_space<hbm>> -> memref<1x8192xi32, #tpu.memory_space<hbm>>
      %dma_start3A_173 = arith.constant 0 : i32
      %dma_start3A_174 = arith.constant 0 : i32
      %dma_start3A_175 = tpu.memref_slice %arg8[%dma_start3A_164, %dma_start3A_173, %dma_start3A_174] : memref<1x1x8192xi32, #tpu.memory_space<vmem>> -> memref<1x1x8192xi32, #tpu.memory_space<vmem>>
      %dma_start3A_176 = tpu.memref_squeeze %dma_start3A_175 : memref<1x1x8192xi32, #tpu.memory_space<vmem>> -> memref<1x8192xi32, #tpu.memory_space<vmem>>
      tpu.enqueue_dma source(%dma_start3A_176 : memref<1x8192xi32, #tpu.memory_space<vmem>>) target(%dma_start3A_172 : memref<1x8192xi32, #tpu.memory_space<hbm>>) target_semaphore(%arg11 : memref<!tpu.dma_semaphore, #tpu.memory_space<semaphore_mem>>)
      %dma_start3A_177 = arith.constant 0 : i32
      %dma_start3A_178 = arith.constant 0 : i32
      %dma_start3A_179 = arith.constant 0 : i32
      %dma_start3A_180 = tpu.memref_slice %arg8[%dma_start3A_177, %dma_start3A_178, %dma_start3A_179] : memref<1x1x8192xi32, #tpu.memory_space<vmem>> -> memref<1x1x8192xi32, #tpu.memory_space<vmem>>
      %dma_start3A_181 = tpu.memref_squeeze %dma_start3A_180 : memref<1x1x8192xi32, #tpu.memory_space<vmem>> -> memref<1x8192xi32, #tpu.memory_space<vmem>>
      %dma_start3A_182 = arith.constant 0 : i32
      %dma_start3A_183 = tpu.memref_slice %arg5[%add3A, %dma_start3A_182] : memref<25x16384xi32, #tpu.memory_space<hbm>> -> memref<1x8192xi32, #tpu.memory_space<hbm>>
      %dma_start3A_184 = arith.constant 0 : i32
      %dma_start3A_185 = tpu.memref_slice %arg5[%add3A, %dma_start3A_184] : memref<25x16384xi32, #tpu.memory_space<hbm>> -> memref<1x8192xi32, #tpu.memory_space<hbm>>
      %dma_start3A_186 = arith.constant 0 : i32
      %dma_start3A_187 = arith.constant 0 : i32
      %dma_start3A_188 = tpu.memref_slice %arg8[%dma_start3A_177, %dma_start3A_186, %dma_start3A_187] : memref<1x1x8192xi32, #tpu.memory_space<vmem>> -> memref<1x1x8192xi32, #tpu.memory_space<vmem>>
      %dma_start3A_189 = tpu.memref_squeeze %dma_start3A_188 : memref<1x1x8192xi32, #tpu.memory_space<vmem>> -> memref<1x8192xi32, #tpu.memory_space<vmem>>
      tpu.enqueue_dma source(%dma_start3A_189 : memref<1x8192xi32, #tpu.memory_space<vmem>>) target(%dma_start3A_185 : memref<1x8192xi32, #tpu.memory_space<hbm>>) target_semaphore(%arg11 : memref<!tpu.dma_semaphore, #tpu.memory_space<semaphore_mem>>)
      %dma_wait3A_190 = arith.constant 1 : i32
      %dma_wait3A_191 = arith.constant 0 : i32
      %dma_wait3A_192 = tpu.memref_slice %arg7[%dma_wait3A_190, %dma_wait3A_191] : memref<2x8192xi32, #tpu.memory_space<vmem>> -> memref<1x8192xi32, #tpu.memory_space<vmem>>
      %dma_wait3A_193 = tpu.memref_squeeze %dma_wait3A_192 : memref<1x8192xi32, #tpu.memory_space<vmem>> -> memref<8192xi32, #tpu.memory_space<vmem>>
      %dma_wait3A_194 = arith.constant 8192 : i32
      %dma_wait3A_195 = tpu.memref_slice %arg3[%dma_wait3A_194] : memref<16384xi32, #tpu.memory_space<hbm>> -> memref<8192xi32, #tpu.memory_space<hbm>>
      %dma_wait3A_196 = arith.constant 0 : i32
      %dma_wait3A_197 = tpu.memref_slice %arg7[%dma_wait3A_190, %dma_wait3A_196] : memref<2x8192xi32, #tpu.memory_space<vmem>> -> memref<1x8192xi32, #tpu.memory_space<vmem>>
      %dma_wait3A_198 = tpu.memref_squeeze %dma_wait3A_197 : memref<1x8192xi32, #tpu.memory_space<vmem>> -> memref<8192xi32, #tpu.memory_space<vmem>>
      %dma_wait3A_199 = arith.constant 8192 : i32
      %dma_wait3A_200 = tpu.memref_slice %arg3[%dma_wait3A_199] : memref<16384xi32, #tpu.memory_space<hbm>> -> memref<8192xi32, #tpu.memory_space<hbm>>
      tpu.wait_dma2 semaphore(%arg10 : memref<!tpu.dma_semaphore, #tpu.memory_space<semaphore_mem>>) src(%dma_wait3A_200 : memref<8192xi32, #tpu.memory_space<hbm>>) dst(%dma_wait3A_198 : memref<8192xi32, #tpu.memory_space<vmem>>)
      %dma_wait3A_201 = arith.constant 0 : i32
      %dma_wait3A_202 = arith.constant 0 : i32
      %dma_wait3A_203 = arith.constant 0 : i32
      %dma_wait3A_204 = tpu.memref_slice %arg8[%dma_wait3A_201, %dma_wait3A_202, %dma_wait3A_203] : memref<1x1x8192xi32, #tpu.memory_space<vmem>> -> memref<1x1x8192xi32, #tpu.memory_space<vmem>>
      %dma_wait3A_205 = tpu.memref_squeeze %dma_wait3A_204 : memref<1x1x8192xi32, #tpu.memory_space<vmem>> -> memref<1x8192xi32, #tpu.memory_space<vmem>>
      %dma_wait3A_206 = arith.constant 0 : i32
      %dma_wait3A_207 = tpu.memref_slice %arg4[%add3A, %dma_wait3A_206] : memref<25x16384xi32, #tpu.memory_space<hbm>> -> memref<1x8192xi32, #tpu.memory_space<hbm>>
      %dma_wait3A_208 = arith.constant 0 : i32
      %dma_wait3A_209 = tpu.memref_slice %arg4[%add3A, %dma_wait3A_208] : memref<25x16384xi32, #tpu.memory_space<hbm>> -> memref<1x8192xi32, #tpu.memory_space<hbm>>
      %dma_wait3A_210 = arith.constant 0 : i32
      %dma_wait3A_211 = arith.constant 0 : i32
      %dma_wait3A_212 = tpu.memref_slice %arg8[%dma_wait3A_201, %dma_wait3A_210, %dma_wait3A_211] : memref<1x1x8192xi32, #tpu.memory_space<vmem>> -> memref<1x1x8192xi32, #tpu.memory_space<vmem>>
      %dma_wait3A_213 = tpu.memref_squeeze %dma_wait3A_212 : memref<1x1x8192xi32, #tpu.memory_space<vmem>> -> memref<1x8192xi32, #tpu.memory_space<vmem>>
      tpu.wait_dma2 semaphore(%arg11 : memref<!tpu.dma_semaphore, #tpu.memory_space<semaphore_mem>>) src(%dma_wait3A_213 : memref<1x8192xi32, #tpu.memory_space<vmem>>) dst(%dma_wait3A_209 : memref<1x8192xi32, #tpu.memory_space<hbm>>)
      %dma_wait3A_214 = arith.constant 0 : i32
      %dma_wait3A_215 = arith.constant 0 : i32
      %dma_wait3A_216 = arith.constant 0 : i32
      %dma_wait3A_217 = tpu.memref_slice %arg8[%dma_wait3A_214, %dma_wait3A_215, %dma_wait3A_216] : memref<1x1x8192xi32, #tpu.memory_space<vmem>> -> memref<1x1x8192xi32, #tpu.memory_space<vmem>>
      %dma_wait3A_218 = tpu.memref_squeeze %dma_wait3A_217 : memref<1x1x8192xi32, #tpu.memory_space<vmem>> -> memref<1x8192xi32, #tpu.memory_space<vmem>>
      %dma_wait3A_219 = arith.constant 0 : i32
      %dma_wait3A_220 = tpu.memref_slice %arg5[%add3A, %dma_wait3A_219] : memref<25x16384xi32, #tpu.memory_space<hbm>> -> memref<1x8192xi32, #tpu.memory_space<hbm>>
      %dma_wait3A_221 = arith.constant 0 : i32
      %dma_wait3A_222 = tpu.memref_slice %arg5[%add3A, %dma_wait3A_221] : memref<25x16384xi32, #tpu.memory_space<hbm>> -> memref<1x8192xi32, #tpu.memory_space<hbm>>
      %dma_wait3A_223 = arith.constant 0 : i32
      %dma_wait3A_224 = arith.constant 0 : i32
      %dma_wait3A_225 = tpu.memref_slice %arg8[%dma_wait3A_214, %dma_wait3A_223, %dma_wait3A_224] : memref<1x1x8192xi32, #tpu.memory_space<vmem>> -> memref<1x1x8192xi32, #tpu.memory_space<vmem>>
      %dma_wait3A_226 = tpu.memref_squeeze %dma_wait3A_225 : memref<1x1x8192xi32, #tpu.memory_space<vmem>> -> memref<1x8192xi32, #tpu.memory_space<vmem>>
      tpu.wait_dma2 semaphore(%arg11 : memref<!tpu.dma_semaphore, #tpu.memory_space<semaphore_mem>>) src(%dma_wait3A_226 : memref<1x8192xi32, #tpu.memory_space<vmem>>) dst(%dma_wait3A_222 : memref<1x8192xi32, #tpu.memory_space<hbm>>)
      %parallel_loop3A_227 = arith.constant 0 : i32
      %parallel_loop3A_228 = arith.constant 512 : i32
      %parallel_loop3A_229 = arith.constant 1 : i32
      scf.for %parallel_loop3A_282 = %parallel_loop3A_227 to %parallel_loop3A_228 step %parallel_loop3A_229  : i32 {
        %parallel_loop3A_283 = arith.constant 16 : i32
        %parallel_loop3A_284 = arith.muli %parallel_loop3A_282, %parallel_loop3A_283 : i32
        %parallel_loop3A_285 = arith.constant 1 : i32
        %parallel_loop3A_286 = arith.index_cast %parallel_loop3A_285 : i32 to index
        %parallel_loop3A_287 = arith.index_cast %parallel_loop3A_284 : i32 to index
        %parallel_loop3A_288 = tpu.vector_load %arg7[%parallel_loop3A_286, %parallel_loop3A_287] {strides = array<i32>} : memref<2x8192xi32, #tpu.memory_space<vmem>>, vector<16xi32>,
        %parallel_loop3A_289 = arith.constant 0 : i32
        %parallel_loop3A_290 = vector.broadcast %parallel_loop3A_289 : i32 to vector<16xi32>
        %parallel_loop3A_291 = tpu.vector_load_idx %arg6[%parallel_loop3A_290, %parallel_loop3A_290, %parallel_loop3A_288] : memref<1x1x100000xi32, #tpu.memory_space<vmem>>[vector<16xi32>, vector<16xi32>, vector<16xi32>], vector<16xi32>,
        %parallel_loop3A_292 = arith.constant 0 : i32
        %parallel_loop3A_293 = arith.constant 0 : i32
        %parallel_loop3A_294 = arith.index_cast %parallel_loop3A_292 : i32 to index
        %parallel_loop3A_295 = arith.index_cast %parallel_loop3A_293 : i32 to index
        %parallel_loop3A_296 = arith.index_cast %parallel_loop3A_284 : i32 to index
        %parallel_loop3A_297 = tpu.vector_load %arg8[%parallel_loop3A_294, %parallel_loop3A_295, %parallel_loop3A_296] {strides = array<i32>} : memref<1x1x8192xi32, #tpu.memory_space<vmem>>, vector<16xi32>,
        tpu.vector_store %arg8[%parallel_loop3A_294, %parallel_loop3A_295, %parallel_loop3A_296], %parallel_loop3A_291 {strides = array<i32>} : memref<1x1x8192xi32, #tpu.memory_space<vmem>>, vector<16xi32>,
      } {sc.loop_unroll_factor = 8 : i64, sc.parallel_access}
      %dma_start3A_230 = arith.constant 0 : i32
      %dma_start3A_231 = arith.constant 0 : i32
      %dma_start3A_232 = arith.constant 0 : i32
      %dma_start3A_233 = tpu.memref_slice %arg8[%dma_start3A_230, %dma_start3A_231, %dma_start3A_232] : memref<1x1x8192xi32, #tpu.memory_space<vmem>> -> memref<1x1x8192xi32, #tpu.memory_space<vmem>>
      %dma_start3A_234 = tpu.memref_squeeze %dma_start3A_233 : memref<1x1x8192xi32, #tpu.memory_space<vmem>> -> memref<1x8192xi32, #tpu.memory_space<vmem>>
      %dma_start3A_235 = arith.constant 8192 : i32
      %dma_start3A_236 = tpu.memref_slice %arg4[%add3A, %dma_start3A_235] : memref<25x16384xi32, #tpu.memory_space<hbm>> -> memref<1x8192xi32, #tpu.memory_space<hbm>>
      %dma_start3A_237 = arith.constant 8192 : i32
      %dma_start3A_238 = tpu.memref_slice %arg4[%add3A, %dma_start3A_237] : memref<25x16384xi32, #tpu.memory_space<hbm>> -> memref<1x8192xi32, #tpu.memory_space<hbm>>
      %dma_start3A_239 = arith.constant 0 : i32
      %dma_start3A_240 = arith.constant 0 : i32
      %dma_start3A_241 = tpu.memref_slice %arg8[%dma_start3A_230, %dma_start3A_239, %dma_start3A_240] : memref<1x1x8192xi32, #tpu.memory_space<vmem>> -> memref<1x1x8192xi32, #tpu.memory_space<vmem>>
      %dma_start3A_242 = tpu.memref_squeeze %dma_start3A_241 : memref<1x1x8192xi32, #tpu.memory_space<vmem>> -> memref<1x8192xi32, #tpu.memory_space<vmem>>
      tpu.enqueue_dma source(%dma_start3A_242 : memref<1x8192xi32, #tpu.memory_space<vmem>>) target(%dma_start3A_238 : memref<1x8192xi32, #tpu.memory_space<hbm>>) target_semaphore(%arg11 : memref<!tpu.dma_semaphore, #tpu.memory_space<semaphore_mem>>)
      %dma_start3A_243 = arith.constant 0 : i32
      %dma_start3A_244 = arith.constant 0 : i32
      %dma_start3A_245 = arith.constant 0 : i32
      %dma_start3A_246 = tpu.memref_slice %arg8[%dma_start3A_243, %dma_start3A_244, %dma_start3A_245] : memref<1x1x8192xi32, #tpu.memory_space<vmem>> -> memref<1x1x8192xi32, #tpu.memory_space<vmem>>
      %dma_start3A_247 = tpu.memref_squeeze %dma_start3A_246 : memref<1x1x8192xi32, #tpu.memory_space<vmem>> -> memref<1x8192xi32, #tpu.memory_space<vmem>>
      %dma_start3A_248 = arith.constant 8192 : i32
      %dma_start3A_249 = tpu.memref_slice %arg5[%add3A, %dma_start3A_248] : memref<25x16384xi32, #tpu.memory_space<hbm>> -> memref<1x8192xi32, #tpu.memory_space<hbm>>
      %dma_start3A_250 = arith.constant 8192 : i32
      %dma_start3A_251 = tpu.memref_slice %arg5[%add3A, %dma_start3A_250] : memref<25x16384xi32, #tpu.memory_space<hbm>> -> memref<1x8192xi32, #tpu.memory_space<hbm>>
      %dma_start3A_252 = arith.constant 0 : i32
      %dma_start3A_253 = arith.constant 0 : i32
      %dma_start3A_254 = tpu.memref_slice %arg8[%dma_start3A_243, %dma_start3A_252, %dma_start3A_253] : memref<1x1x8192xi32, #tpu.memory_space<vmem>> -> memref<1x1x8192xi32, #tpu.memory_space<vmem>>
      %dma_start3A_255 = tpu.memref_squeeze %dma_start3A_254 : memref<1x1x8192xi32, #tpu.memory_space<vmem>> -> memref<1x8192xi32, #tpu.memory_space<vmem>>
      tpu.enqueue_dma source(%dma_start3A_255 : memref<1x8192xi32, #tpu.memory_space<vmem>>) target(%dma_start3A_251 : memref<1x8192xi32, #tpu.memory_space<hbm>>) target_semaphore(%arg11 : memref<!tpu.dma_semaphore, #tpu.memory_space<semaphore_mem>>)
      %dma_wait3A_256 = arith.constant 0 : i32
      %dma_wait3A_257 = arith.constant 0 : i32
      %dma_wait3A_258 = arith.constant 0 : i32
      %dma_wait3A_259 = tpu.memref_slice %arg8[%dma_wait3A_256, %dma_wait3A_257, %dma_wait3A_258] : memref<1x1x8192xi32, #tpu.memory_space<vmem>> -> memref<1x1x8192xi32, #tpu.memory_space<vmem>>
      %dma_wait3A_260 = tpu.memref_squeeze %dma_wait3A_259 : memref<1x1x8192xi32, #tpu.memory_space<vmem>> -> memref<1x8192xi32, #tpu.memory_space<vmem>>
      %dma_wait3A_261 = arith.constant 8192 : i32
      %dma_wait3A_262 = tpu.memref_slice %arg4[%add3A, %dma_wait3A_261] : memref<25x16384xi32, #tpu.memory_space<hbm>> -> memref<1x8192xi32, #tpu.memory_space<hbm>>
      %dma_wait3A_263 = arith.constant 8192 : i32
      %dma_wait3A_264 = tpu.memref_slice %arg4[%add3A, %dma_wait3A_263] : memref<25x16384xi32, #tpu.memory_space<hbm>> -> memref<1x8192xi32, #tpu.memory_space<hbm>>
      %dma_wait3A_265 = arith.constant 0 : i32
      %dma_wait3A_266 = arith.constant 0 : i32
      %dma_wait3A_267 = tpu.memref_slice %arg8[%dma_wait3A_256, %dma_wait3A_265, %dma_wait3A_266] : memref<1x1x8192xi32, #tpu.memory_space<vmem>> -> memref<1x1x8192xi32, #tpu.memory_space<vmem>>
      %dma_wait3A_268 = tpu.memref_squeeze %dma_wait3A_267 : memref<1x1x8192xi32, #tpu.memory_space<vmem>> -> memref<1x8192xi32, #tpu.memory_space<vmem>>
      tpu.wait_dma2 semaphore(%arg11 : memref<!tpu.dma_semaphore, #tpu.memory_space<semaphore_mem>>) src(%dma_wait3A_268 : memref<1x8192xi32, #tpu.memory_space<vmem>>) dst(%dma_wait3A_264 : memref<1x8192xi32, #tpu.memory_space<hbm>>)
      %dma_wait3A_269 = arith.constant 0 : i32
      %dma_wait3A_270 = arith.constant 0 : i32
      %dma_wait3A_271 = arith.constant 0 : i32
      %dma_wait3A_272 = tpu.memref_slice %arg8[%dma_wait3A_269, %dma_wait3A_270, %dma_wait3A_271] : memref<1x1x8192xi32, #tpu.memory_space<vmem>> -> memref<1x1x8192xi32, #tpu.memory_space<vmem>>
      %dma_wait3A_273 = tpu.memref_squeeze %dma_wait3A_272 : memref<1x1x8192xi32, #tpu.memory_space<vmem>> -> memref<1x8192xi32, #tpu.memory_space<vmem>>
      %dma_wait3A_274 = arith.constant 8192 : i32
      %dma_wait3A_275 = tpu.memref_slice %arg5[%add3A, %dma_wait3A_274] : memref<25x16384xi32, #tpu.memory_space<hbm>> -> memref<1x8192xi32, #tpu.memory_space<hbm>>
      %dma_wait3A_276 = arith.constant 8192 : i32
      %dma_wait3A_277 = tpu.memref_slice %arg5[%add3A, %dma_wait3A_276] : memref<25x16384xi32, #tpu.memory_space<hbm>> -> memref<1x8192xi32, #tpu.memory_space<hbm>>
      %dma_wait3A_278 = arith.constant 0 : i32
      %dma_wait3A_279 = arith.constant 0 : i32
      %dma_wait3A_280 = tpu.memref_slice %arg8[%dma_wait3A_269, %dma_wait3A_278, %dma_wait3A_279] : memref<1x1x8192xi32, #tpu.memory_space<vmem>> -> memref<1x1x8192xi32, #tpu.memory_space<vmem>>
      %dma_wait3A_281 = tpu.memref_squeeze %dma_wait3A_280 : memref<1x1x8192xi32, #tpu.memory_space<vmem>> -> memref<1x8192xi32, #tpu.memory_space<vmem>>
      tpu.wait_dma2 semaphore(%arg11 : memref<!tpu.dma_semaphore, #tpu.memory_space<semaphore_mem>>) src(%dma_wait3A_281 : memref<1x8192xi32, #tpu.memory_space<vmem>>) dst(%dma_wait3A_277 : memref<1x8192xi32, #tpu.memory_space<hbm>>)
    } else {
    }
    return
  }
}

</mosaic_0001>

<sc_bundles>
// kernel: kernel.3.cloned.1.call-start
scs
__scs_entry_jumppad:
0x0: {  	(pc) =	sbr.rel $0x88, $3  }
0x1: {  	(tag) =	ssettag $0x0;
	lr =	simm.s32 $0x1  }
0x2: {  	[smem:$0x3F9F] =	sst lr;
	_ =	strace $0xD0000000  }
0x3: {  	_ = 	snop  }
0x4: {  	_ = 	snop  }
0x5: {  	_ = 	snop  }
0x6: {  	_ = 	snop  }
0x7: {  	_ = 	snop  }
__scs_overlays_trampoline_lowered:
0x8: {  	[smem:$0x3FAE] =	sst s0  }
0x9: {  	[smem:$0x3FAF] =	sst s1  }
0xa: {  	[smem:$0x3FB0] =	sst s2  }
0xb: {  	[smem:$0x3FB1] =	sst s3  }
0xc: {  	[smem:$0x3FB2] =	sst s4  }
0xd: {  	[smem:$0x3FB3] =	sst s5  }
0xe: {  	[smem:$0x3FB4] =	sst s6  }
0xf: {  	[smem:$0x3FB5] =	sst s7  }
0x10: {  	[smem:$0x3FB6] =	sst s8  }
0x11: {  	[smem:$0x3FB7] =	sst s9;
	s0 =	simm.s32 @!p0 $0x0  }
0x12: {  	s1 =	sld [smem:$0x3F9D];
	s0 =	simm.s32 @p0 $0x1  }
0x13: {  	[smem:$0x3FB8] =	sst s0;
	s0 =	simm.s32 @!p1 $0x0  }
0x14: {  	s2 =	sld [smem:$0x3F9C];
	s0 =	simm.s32 @p1 $0x1  }
0x15: {  	[smem:$0x3FB9] =	sst s0;
	s0 =	simm.s32 @!p2 $0x0  }
0x16: {  	s3 =	sld [smem:$0x3FDB];
	s0 =	simm.s32 @p2 $0x1  }
0x17: {  	s4 =	simm.s32 $0x1BF5;
	[smem:$0x3FBB] =	sst s0  }
0x18: {  	s0 =	sld [smem:$0x3F9E];
	_ =	swait.ge [sflag:s4], $0x0  }
0x19: {  	s7 =	sld [smem:$0x3F9F]  }
0x1a: {  	s8 =	sadd.s32 $0xFFFFE003, lr  }
0x1b: {  	s9 =	sadd.s32 $0xFFFFFEF7, lr;
	s5 =	simm.s32 $0xFFFFFFFF;
	p2 =	slt.u32 s8, $0xFFFFF086  }
0x1c: {  	p1 =	slt.u32 s9, $0xF7A;
	s5 =	simm.s32 @!p2 $0x0  }
0x1d: {  	s5 =	simm.s32 @p1 $0x1;
	p0 =	seq.s32 s7, s2  }
0x1e: {  	s7 =	smul.u32 @!p0 $0xF7A, s2;
	p2 =	seq.s32 @!p0 s5, $0x0  }
0x1f: {  	s9 =	smul.u32 $0xF7A, s1;
	s8 =	simm.s32 @!p0 $0x1BF5;
	p2 =	por !p2, p0  }
0x20: {  	[sflag:s8] =	ssyncset.s32 @!p0 $0xFFFFF086;
	s6 =	sadd.s32 @!p0 s3, s7;
	s7 =	simm.s32 @!p0 $0x108  }
0x21: {  	s3 =	sadd.s32 s3, s9;
	s6 =	sadd.s32 @!p0 $0x88, s6;
	s7 =	simm.s32 @p2 $0x1082  }
0x22: {  	[simem:s7], [sflag:s8] =	dma.local @!p0 [hbm:s6], $0xF7A  }
0x23: {  	s9 =	sor.u32 $0xD0000000, s2;
	s6 =	simm.s32 $0x108;
	_ =	swait.ge @!p0 [sflag:s8], $0x0  }
0x24: {  	s3 =	sadd.s32 $0x88, s3;
	s6 =	simm.s32 @!p1 $0x1082;
	[sflag:s4] =	ssyncset.s32 $0xFFFFF086  }
0x25: {  	[simem:s6], [sflag:s4] =	dma.local [hbm:s3], $0xF7A  }
0x26: {  	[smem:$0x3F9F] =	sst s1;
	(tag) =	ssettag s2;
	_ =	strace s9  }
0x27: {  	s1 =	sld [smem:$0x3FAF]  }
0x28: {  	s2 =	sld [smem:$0x3FB0]  }
0x29: {  	s4 =	sld [smem:$0x3FB2]  }
0x2a: {  	p0 =	seq.s32 s5, $0x0;
	s5 =	sld [smem:$0x3FB3]  }
0x2b: {  	s6 =	sld [smem:$0x3FB4]  }
0x2c: {  	s7 =	sld [smem:$0x3FB5]  }
0x2d: {  	s3 =	simm.s32 $0x108;
	s8 =	sld [smem:$0x3FB6]  }
0x2e: {  	s3 =	simm.s32 @!p0 $0x1082;
	s9 =	sld [smem:$0x3FB7]  }
0x2f: {  	lr =	sadd.s32 s0, s3;
	s0 =	sld [smem:$0x3FAE]  }
0x30: {  	s3 =	sld [smem:$0x3FB1]  }
0x31: {  	[smem:$0x3FBA] =	sst s10  }
0x32: {  	s10 =	sld [smem:$0x3FB8];
	_ =	sdelay $0x3  }
0x33: {  	p0 =	seq.s32 s10, $0x1;
	s10 =	sld [smem:$0x3FBA];
	_ =	sdelay $0x3  }
0x34: {  	[smem:$0x3FBA] =	sst s10  }
0x35: {  	s10 =	sld [smem:$0x3FB9];
	_ =	sdelay $0x3  }
0x36: {  	p1 =	seq.s32 s10, $0x1;
	s10 =	sld [smem:$0x3FBA];
	_ =	sdelay $0x3  }
0x37: {  	[smem:$0x3FBA] =	sst s10  }
0x38: {  	s10 =	sld [smem:$0x3FBB]  }
0x39: {  	_ = 	snop;
	(pc) =	sbr.ind lr, $3  }
0x3a: {  	_ = 	snop  }
0x3b: {  	_ = 	snop  }
0x3c: {  	p2 =	seq.s32 s10, $0x1;
	s10 =	sld [smem:$0x3FBA]  }
0x3d: {  	_ =	shalt  }
0x3e: {  	_ =	shalt  }
0x3f: {  	_ =	shalt  }
0x40: {  	_ =	shalt  }
0x41: {  	_ =	shalt  }
0x42: {  	_ =	shalt  }
0x43: {  	_ =	shalt  }
0x44: {  	_ =	shalt  }
0x45: {  	_ =	shalt  }
0x46: {  	_ =	shalt  }
0x47: {  	_ =	shalt  }
0x48: {  	_ =	shalt  }
0x49: {  	_ =	shalt  }
0x4a: {  	_ =	shalt  }
0x4b: {  	_ =	shalt  }
0x4c: {  	_ =	shalt  }
0x4d: {  	_ =	shalt  }
0x4e: {  	_ =	shalt  }
0x4f: {  	_ =	shalt  }
0x50: {  	_ =	shalt  }
0x51: {  	_ =	shalt  }
0x52: {  	_ =	shalt  }
0x53: {  	_ =	shalt  }
0x54: {  	_ =	shalt  }
0x55: {  	_ =	shalt  }
0x56: {  	_ =	shalt  }
0x57: {  	_ =	shalt  }
0x58: {  	_ =	shalt  }
0x59: {  	_ =	shalt  }
0x5a: {  	_ =	shalt  }
0x5b: {  	_ =	shalt  }
0x5c: {  	_ =	shalt  }
0x5d: {  	_ =	shalt  }
0x5e: {  	_ =	shalt  }
0x5f: {  	_ =	shalt  }
0x60: {  	_ =	shalt  }
0x61: {  	_ =	shalt  }
0x62: {  	_ =	shalt  }
0x63: {  	_ =	shalt  }
0x64: {  	_ =	shalt  }
0x65: {  	_ =	shalt  }
0x66: {  	_ =	shalt  }
0x67: {  	_ =	shalt  }
0x68: {  	_ =	shalt  }
0x69: {  	_ =	shalt  }
0x6a: {  	_ =	shalt  }
0x6b: {  	_ =	shalt  }
0x6c: {  	_ =	shalt  }
0x6d: {  	_ =	shalt  }
0x6e: {  	_ =	shalt  }
0x6f: {  	_ =	shalt  }
0x70: {  	_ =	shalt  }
0x71: {  	_ =	shalt  }
0x72: {  	_ =	shalt  }
0x73: {  	_ =	shalt  }
0x74: {  	_ =	shalt  }
0x75: {  	_ =	shalt  }
0x76: {  	_ =	shalt  }
0x77: {  	_ =	shalt  }
0x78: {  	_ =	shalt  }
0x79: {  	_ =	shalt  }
0x7a: {  	_ =	shalt  }
0x7b: {  	_ =	shalt  }
0x7c: {  	_ =	shalt  }
0x7d: {  	_ =	shalt  }
0x7e: {  	_ =	shalt  }
0x7f: {  	_ =	shalt  }
0x80: {  	_ =	shalt  }
0x81: {  	_ =	shalt  }
0x82: {  	_ =	shalt  }
0x83: {  	_ =	shalt  }
0x84: {  	_ =	shalt  }
0x85: {  	_ =	shalt  }
0x86: {  	_ =	shalt  }
0x87: {  	_ =	shalt  }
.Lfunc_end0:
.L_simem_size_0:
called_computation_lowered:
.L_overlay_start_0:
0x88: {  	s2 =	sld [smem:$0x3FD9]  }
0x89: {  	s3 =	sld [smem:$0x3FFE];
	_ =	sdelay $0x1  }
0x8a: {  	s1 =	srdreg.scid  }
0x8b: {  	s0 =	sand.u32 $0x1, s1  }
0x8c: {  	s15 =	sshll.u32 s0, $0xA;
	s2 =	sadd.s32 s3, s2  }
0x8d: {  	s2 =	sadd.s32 s2, s15  }
0x8e: {  	[smem:$0x3FC6] =	sst s2  }
0x8f: {  	_ = 	snop  }
0x90: {  	s2 =	sld [smem:$0x3FD0];
	_ =	sdelay $0x1  }
0x91: {  	s16 =	sld [smem:$0x3FC9]  }
0x92: {  	s5 =	simm.s32 $0xA;
	s6 =	simm.s32 $0x10;
	s4 =	sld [smem:$0x3FC8]  }
0x93: {  	[smem:s6], [sflag:s5] =	dma.local [hbm:s2], $0x1  }
0x94: {  	_ =	swait.eq [sflag:s5], $0x1  }
0x95: {  	[sflag:s5] =	ssyncset.done $0x0  }
0x96: {  	s17 =	sld [smem:$0x10];
	[sflag:s5] =	ssyncadd.s32 $0xFFFFFFFF  }
0x97: {  	s18 =	sld [smem:$0x11];
	(tm) =	ssettm $0x1  }
0x98: {  	s19 =	sld [smem:$0x3FFB];
	_ =	sdelay $0x3  }
0x99: {  	_ =	strace s19  }
0x9a: {  	s6 =	sld [smem:$0x3FFC];
	_ =	sdelay $0x3  }
0x9b: {  	_ =	strace s6  }
0x9c: {  	s6 =	sld [smem:$0x3FFD];
	_ =	sdelay $0x3  }
0x9d: {  	_ =	strace s6  }
0x9e: {  	_ =	strace $0x8FFFFFFF  }
0x9f: {  	s20 =	sld [smem:$0x3FDB];
	_ =	sdelay $0x1  }
0xa0: {  	s7 =	simm.s32 $_scs_section_size  }
0xa1: {  	s8 =	simm.s32 $_size__tile_overlayer_lowered;
	s9 =	simm.s32 $_tile_overlayer_lowered  }
0xa2: {  	s23 =	simm.s32 $0x1BFF;
	s22 =	sshll.u32 s9, $0x1;
	s6 =	sadd.s32 s7, s20  }
0xa3: {  	s10 =	simm.s32 $0x0;
	s21 =	sshll.u32 s8, $0x1;
	s8 =	sadd.s32 s22, s6  }
0xa4: {  	[timem:s10], [sflag:s23] =	dma.local [hbm:s8], s21  }
0xa5: {  	_ =	swait.ge [sflag:s23], s21  }
0xa6: {  	s7 =	ssub.s32 $0x0, s21;
	[sflag:s23] =	ssyncset.done $0x0  }
0xa7: {  	[sflag:s23] =	ssyncadd.s32 s7;
	_ =	sdelay $0x1  }
0xa8: {  	s24 =	simm.s32 $0x1B8B  }
0xa9: {  	_ =	swait.ge [sflag:s24], $0x1  }
0xaa: {  	[sflag:s24] =	ssyncset.done $0x0  }
0xab: {  	s25 =	simm.s32 $0x1B8E;
	[sflag:s24] =	ssyncadd.s32 $0xFFFFFFFF  }
0xac: {  	s26 =	simm.s32 $execute0_lowered;
	[smem:$0x3FD2] =	sst s25  }
0xad: {  	s7 =	sshll.u32 s26, $0x1;
	_ =	strace $0x80000046;
	[dreg:$0x1] =	wrdreg $0xFFFFFFFF  }
0xae: {  	s28 =	simm.s32 $_size_execute0_lowered;
	s6 =	sadd.s32 s6, s7;
	[dreg:$0x0] =	wrdreg $0x0  }
0xaf: {  	s7 =	sshll.u32 s28, $0x1;
	[dreg:$0x2] =	wrdreg s6  }
0xb0: {  	[dreg:$0x3] =	wrdreg s7  }
0xb1: {  	[dreg:$0x4] =	wrdreg $0xC0  }
0xb2: {  	_ =	task [dreg:s10], $0x5FFFF  }
0xb3: {  	[dreg:$0x1] =	wrdreg $0xFFFFFFFF  }
0xb4: {  	[dreg:$0x0] =	wrdreg $0x60  }
0xb5: {  	[dreg:$0x2] =	wrdreg s16  }
0xb6: {  	[dreg:$0x3] =	wrdreg s4  }
0xb7: {  	[dreg:$0x4] =	wrdreg s17  }
0xb8: {  	[dreg:$0x5] =	wrdreg s18  }
0xb9: {  	[dreg:$0x6] =	wrdreg $0x9  }
0xba: {  	_ =	task.clear_ibuf [dreg:s10], $0x7FFFF;
	_ =	strace $0x90000046  }
0xbb: {  	s29 =	simm.s32 $0x9;
	_ =	strace $0x80000048  }
0xbc: {  	_ =	swait.ge [sflag:s29], $0x1  }
0xbd: {  	[sflag:s29] =	ssyncadd.s32 $0xFFFFFFFF  }
0xbe: {  	_ =	strace $0x90000048  }
0xbf: {  	_ =	sfence  }
0xc0: {  	s30 =	sld [smem:$0x0];
	_ =	sdelay $0x2  }
0xc1: {  	s31 =	sshll.u32 s1, $0xD;
	s1 =	sshrl.u32 s1, $0x2  }
0xc2: {  	s3 =	sand.u32 $0x4000, s31;
	s1 =	sadd.s32 s1, s30  }
0xc3: {  	s0 =	sor.u32 s3, s0;
	s1 =	sshll.u32 s1, $0x11  }
0xc4: {  	s0 =	sor.u32 s1, s0  }
0xc5: {  	s0 =	sadd.s32 $0x8F2B, s0  }
0xc6: {  	[sflag:s0] =	ssyncadd.remote.s32 $0x1  }
0xc7: {  	_ =	sfence.sel $0xFFFF  }
0xc8: {  	[dreg:$0x0] =	wrdreg $0xFFFFFFFF;
	(pc) =	sbr.abs _section_cstart, $3  }
0xc9: {  	[dreg:$0x1] =	wrdreg $0xFFFFFFFF  }
0xca: {  	_ =	task.clear_ibuf [dreg:s10], $0x2FFFF;
	_ =	strace $0x9FFFFFFF  }
0xcb: {  	(tm) =	ssettm $0x7FFFFFFF  }
tec
execute0_lowered:
.L_overlay_start_1:
0x0: {  	(tag) =	ssettag $0x1  }
0x1: {  	s2 =	srdreg.scid;
	s0 =	stileid.u32  }
0x2: {  	s9 =	sand.u32 $0x1, s2;
	s4 =	sshll.u32 s0, $0x1  }
0x3: {  	s4 =	sor.u32 s9, s4  }
0x4: {  	s10 =	rddreg [dreg:$0x0];
	p0 =	sgt.u32 s4, $0x18  }
.Ltmp0:
0x5: {  	s1 =	rddreg [dreg:$0x1];
	(pc) =	sbr.rel @p0 .LBB2_11-.Ltmp0, $4  }
0x6: {  	s7 =	rddreg [dreg:$0x2]  }
0x7: {  	s8 =	rddreg [dreg:$0x3];
	s3 =	simm.s32 $0x0  }
0x8: {  	[smem:$0x7FF] =	sst s3  }
0x9: {  	s2 =	rddreg [dreg:$0x4];
	_ =	strace $0x80000047  }
0xa: {  	p0 =	seq.s32 s9, $0x0;
	s5 =	simm.s32 $0x17;
	s6 =	simm.s32 $0xE  }
0xb: {  	s11 =	simm.s32 $0x19;
	s12 =	simm.s32 $0x18;
	s13 =	simm.s32 $0x14  }
0xc: {  	s14 =	simm.s32 $0xB;
	s15 =	simm.s32 $0x12;
	s16 =	simm.s32 $0x16  }
0xd: {  	s17 =	simm.s32 $0x1E;
	s18 =	simm.s32 $0x2;
	s19 =	simm.s32 $0x10  }
0xe: {  	s20 =	simm.s32 $0x1F;
	s21 =	simm.s32 $0x4;
	p1 =	seq.s32 s0, $0x0  }
0xf: {  	s24 =	sshll.u32 s0, $0xC;
	s4 =	sshll.u32 s4, $0x4;
	s29 =	ssub.s32 $0x2, s9  }
0x10: {  	s9 =	simm.s32 $0x2;
	s5 =	simm.s32 @!p0 $0x0;
	s6 =	simm.s32 @!p0 $0x11  }
0x11: {  	s11 =	simm.s32 @!p0 $0xD;
	s20 =	simm.s32 @!p0 $0x7;
	s21 =	simm.s32 @!p0 $0x1D  }
0x12: {  	s19 =	simm.s32 @!p0 $0x13;
	s20 =	simm.s32 @!p1 $0x0;
	p1 =	seq.s32 s0, $0x1  }
0x13: {  	s18 =	simm.s32 @!p0 $0x5;
	s20 =	smov.u32 @p1 s21;
	p1 =	seq.s32 s0, $0x2  }
0x14: {  	s17 =	simm.s32 @!p0 $0x3;
	s20 =	smov.u32 @p1 s19;
	p1 =	seq.s32 s0, $0x3  }
0x15: {  	s16 =	simm.s32 @!p0 $0x6;
	s20 =	smov.u32 @p1 s18;
	p1 =	seq.s32 s0, $0x4  }
0x16: {  	s15 =	simm.s32 @!p0 $0xA;
	s20 =	smov.u32 @p1 s17;
	p1 =	seq.s32 s0, $0x5  }
0x17: {  	s14 =	simm.s32 @!p0 $0xF;
	s20 =	smov.u32 @p1 s16;
	p1 =	seq.s32 s0, $0x6  }
0x18: {  	s13 =	simm.s32 @!p0 $0x8;
	s20 =	smov.u32 @p1 s15;
	p1 =	seq.s32 s0, $0x7  }
0x19: {  	s12 =	simm.s32 @!p0 $0x9;
	s20 =	smov.u32 @p1 s14;
	p1 =	seq.s32 s0, $0x8  }
0x1a: {  	p0 =	seq.s32 s0, $0x9;
	s4 =	sor.u32 s24, s4;
	s20 =	smov.u32 @p1 s13  }
0x1b: {  	s30 =	sshrl.u32 s29, $0x1;
	s20 =	smov.u32 @p0 s12;
	p0 =	seq.s32 s0, $0xA  }
0x1c: {  	s25 =	sand.u32 $0xC070, s4;
	s20 =	smov.u32 @p0 s11;
	p0 =	seq.s32 s0, $0xB  }
0x1d: {  	s4 =	sadd.s32 $0x400, s1;
	s20 =	smov.u32 @p0 s6;
	p0 =	seq.s32 s0, $0xC  }
0x1e: {  	s31 =	ssub.s32 s29, s30;
	s17 =	simm.s32 $0x0;
	s20 =	smov.u32 @p0 s5  }
0x1f: {  	s16 =	simm.s32 $0x3;
	s15 =	simm.s32 $0x1C700;
	s26 =	sshrl.u32 s20, $0x3  }
0x20: {  	s14 =	simm.s32 $0x1;
	s28 =	sshll.u32 s20, $0x7;
	s12 =	smul.u32 $0xC3800, s26  }
0x21: {  	s11 =	sor.u32 $0x2000, s25;
	s6 =	sadd.s32 s8, s25;
	s13 =	sand.u32 $0x380, s28  }
0x22: {  	s8 =	sadd.s32 s8, s11;
	s5 =	sadd.s32 s7, s25;
	s12 =	sor.u32 s13, s12  }
0x23: {  	s7 =	sadd.s32 s7, s11;
	s11 =	smax.u32 s31, $0x1;
	s12 =	sshrl.u32 s12, $0x3  }
0x24: {  	s13 =	simm.s32 $0x400;
	s10 =	sadd.s32 s10, s12;
	s12 =	simm.s32 $0x80  }
.LBB2_2:
0x25: {  	s18 =	simm.s32 $0x0;
	s19 =	simm.s32 $0x10  }
0x26: {  	[tilespmem:s18], [sflag:$0x1] =	stream.strided.gather [hbm4b:s10+s12], $0x18700, s13, s12, $0x38;
	[tilespmem:$0x1E700] =	vst v63  }
0x27: {  	s21 =	sadd.s32 $0x0, s1;
	s20 =	simm.s32 $0x18800;
	s18 =	simm.s32 $0x18700  }
.LBB2_3:
0x28: {  	[tilespmem:s18], [sflag:$0x2] =	stream.linear.gather [hbm4b:s21+s3], $0x80, $0x38;
	[tilespmem:$0x1E700] =	vst v63  }
0x29: {  	s21 =	smov.u32 s19;
	s18 =	smov.u32 s20;
	p0 =	sne.s32 s19, $0x3F0  }
.Ltmp1:
0x2a: {  	s19 =	sadd.s32 $0x10, s19;
	(pc) =	sbr.rel @p0 .LBB2_3-.Ltmp1, $2  }
0x2b: {  	_ =	sdelay $0x2  }
0x2c: {  	s20 =	sadd.s32 $0x100, s20;
	s21 =	sadd.s32 s21, s1  }
0x2d: {  	[tilespmem:s18], [sflag:$0x2] =	stream.linear.gather [hbm4b:s21+s3], $0x80, $0x38;
	[tilespmem:$0x1E700] =	vst v63  }
0x2e: {  	s18 =	simm.s32 $0x18780  }
0x2f: {  	s19 =	simm.s32 $0x10;
	s21 =	sadd.s32 $0x0, s4;
	s20 =	simm.s32 $0x18880  }
.LBB2_5:
0x30: {  	[tilespmem:s18], [sflag:$0x2] =	stream.linear.gather [hbm4b:s21+s3], $0x80, $0x38;
	[tilespmem:$0x1E700] =	vst v63  }
0x31: {  	s21 =	smov.u32 s19;
	s18 =	smov.u32 s20;
	p0 =	sne.s32 s19, $0x3F0  }
.Ltmp2:
0x32: {  	s19 =	sadd.s32 $0x10, s19;
	(pc) =	sbr.rel @p0 .LBB2_5-.Ltmp2, $2  }
0x33: {  	_ =	sdelay $0x2  }
0x34: {  	s20 =	sadd.s32 $0x100, s20;
	s21 =	sadd.s32 s21, s4  }
0x35: {  	[tilespmem:s18], [sflag:$0x2] =	stream.linear.gather [hbm4b:s21+s3], $0x80, $0x38;
	[tilespmem:$0x1E700] =	vst v63  }
0x36: {  	_ =	swait.ge [sflag:s14], $0x18700  }
0x37: {  	[sflag:s14] =	ssyncset.done $0x0  }
0x38: {  	[sflag:s14] =	ssyncadd.s32 $0xFFFE7900  }
0x39: {  	_ =	swait.ge [sflag:s9], $0x2000  }
0x3a: {  	[sflag:s9] =	ssyncset.done $0x0  }
0x3b: {  	s31 =	simm.s32 $0x18740;
	[sflag:s9] =	ssyncadd.s32 $0xFFFFE000  }
0x3c: {  	v0 =	vld [tilespmem:s31+$0x30]  }
0x3d: {  	v1 =	vld [tilespmem:s31+$0xFFFFFFD0]  }
0x3e: {  	v2 =	vld [tilespmem:s31+$0xFFFFFFE0]  }
0x3f: {  	v3 =	vld [tilespmem:s31+$0xFFFFFFF0]  }
0x40: {  	v4 =	vld [tilespmem:s31+$0x0]  }
0x41: {  	v6 =	vld [tilespmem:s31+$0x10]  }
0x42: {  	v7 =	vld [tilespmem:s31+$0x20]  }
0x43: {  	v8 =	vld [tilespmem:s31+$0xFFFFFFC0]  }
0x44: {  	v9 =	vld.idx.msk [tilespmem:v0+s3+$0x0], $0xffff  }
0x45: {  	v10 =	vld.idx.msk [tilespmem:v1+s3+$0x0], $0xffff  }
0x46: {  	v5 =	vld.idx.msk [tilespmem:v2+s3+$0x0], $0xffff  }
0x47: {  	v3 =	vld.idx.msk [tilespmem:v3+s3+$0x0], $0xffff  }
0x48: {  	v0 =	vld.idx.msk [tilespmem:v4+s3+$0x0], $0xffff  }
0x49: {  	s18 =	simm.s32 $0x1C740;
	v1 =	vld.idx.msk [tilespmem:v6+s3+$0x0], $0xffff  }
0x4a: {  	v2 =	vld.idx.msk [tilespmem:v7+s3+$0x0], $0xffff;
	[tilespmem:s18+$0x30] =	vst v9  }
0x4b: {  	s19 =	simm.s32 $0x0;
	s20 =	simm.s32 $0x18840;
	v4 =	vld.idx.msk [tilespmem:v8+s3+$0x0], $0xffff;
	[tilespmem:s18+$0xFFFFFFD0] =	vst v10  }
.LBB2_7:
0x4c: {  	v6 =	vld [tilespmem:s20+$0x30];
	s19 =	sadd.s32 $0x8, s19;
	[tilespmem:s18+$0xFFFFFFE0] =	vst v5  }
0x4d: {  	v5 =	vld [tilespmem:s20+$0xFFFFFFD0];
	p0 =	slt.u32 s19, $0x1F8;
	[tilespmem:s18+$0xFFFFFFF0] =	vst v3  }
0x4e: {  	v3 =	vld [tilespmem:s20+$0xFFFFFFE0];
	[tilespmem:s18+$0x0] =	vst v0  }
0x4f: {  	v0 =	vld [tilespmem:s20+$0xFFFFFFF0];
	[tilespmem:s18+$0x10] =	vst v1  }
0x50: {  	v1 =	vld [tilespmem:s20+$0x0];
	[tilespmem:s18+$0x20] =	vst v2  }
0x51: {  	v2 =	vld [tilespmem:s20+$0x10];
	[tilespmem:s18+$0xFFFFFFC0] =	vst v4  }
0x52: {  	v4 =	vld [tilespmem:s20+$0x20]  }
0x53: {  	v7 =	vld [tilespmem:s20+$0xFFFFFFC0]  }
0x54: {  	v6 =	vld.idx.msk [tilespmem:v6+s3+$0x0], $0xffff  }
0x55: {  	v8 =	vld.idx.msk [tilespmem:v5+s3+$0x0], $0xffff  }
0x56: {  	v5 =	vld.idx.msk [tilespmem:v3+s3+$0x0], $0xffff  }
.Ltmp3:
0x57: {  	v3 =	vld.idx.msk [tilespmem:v0+s3+$0x0], $0xffff;
	(pc) =	sbr.rel @p0 .LBB2_7-.Ltmp3, $4  }
0x58: {  	v0 =	vld.idx.msk [tilespmem:v1+s3+$0x0], $0xffff  }
0x59: {  	s18 =	sadd.s32 $0x80, s18;
	v1 =	vld.idx.msk [tilespmem:v2+s3+$0x0], $0xffff  }
0x5a: {  	v2 =	vld.idx.msk [tilespmem:v4+s3+$0x0], $0xffff;
	[tilespmem:s18+$0x30] =	vst v6  }
0x5b: {  	s20 =	sadd.s32 $0x100, s20;
	v4 =	vld.idx.msk [tilespmem:v7+s3+$0x0], $0xffff;
	[tilespmem:s18+$0xFFFFFFD0] =	vst v8  }
0x5c: {  	[tilespmem:s18+$0xFFFFFFE0] =	vst v5  }
0x5d: {  	[tilespmem:s18+$0xFFFFFFF0] =	vst v3  }
0x5e: {  	[tilespmem:s18+$0x0] =	vst v0  }
0x5f: {  	[tilespmem:s18+$0x10] =	vst v1  }
0x60: {  	[tilespmem:s18+$0x20] =	vst v2  }
0x61: {  	[tilespmem:s18+$0xFFFFFFC0] =	vst v4  }
0x62: {  	[hbm4b:s5+s12] =	stream.strided.scatter [tilespmem:s15], [sflag:$0x3], $0x2000, s13, s12, $0x38;
	[tilespmem:$0x1E700] =	vst v63  }
0x63: {  	_ = 	snop  }
0x64: {  	[hbm4b:s6+s12] =	stream.strided.scatter [tilespmem:s15], [sflag:$0x3], $0x2000, s13, s12, $0x38;
	[tilespmem:$0x1E700] =	vst v63  }
0x65: {  	_ =	swait.ge [sflag:s9], $0x2000  }
0x66: {  	[sflag:s9] =	ssyncset.done $0x0  }
0x67: {  	[sflag:s9] =	ssyncadd.s32 $0xFFFFE000  }
0x68: {  	_ =	swait.ge [sflag:s16], $0x2000  }
0x69: {  	[sflag:s16] =	ssyncset.done $0x0  }
0x6a: {  	[sflag:s16] =	ssyncadd.s32 $0xFFFFE000  }
0x6b: {  	_ =	swait.ge [sflag:s16], $0x2000  }
0x6c: {  	[sflag:s16] =	ssyncset.done $0x0  }
0x6d: {  	s31 =	simm.s32 $0x187F0;
	[sflag:s16] =	ssyncadd.s32 $0xFFFFE000  }
0x6e: {  	v0 =	vld [tilespmem:s31+$0x0]  }
0x6f: {  	v1 =	vld [tilespmem:s31+$0xFFFFFFA0]  }
0x70: {  	v2 =	vld [tilespmem:s31+$0xFFFFFFB0]  }
0x71: {  	v3 =	vld [tilespmem:s31+$0xFFFFFFC0]  }
0x72: {  	v4 =	vld [tilespmem:s31+$0xFFFFFFD0]  }
0x73: {  	v6 =	vld [tilespmem:s31+$0xFFFFFFE0]  }
0x74: {  	v7 =	vld [tilespmem:s31+$0xFFFFFFF0]  }
0x75: {  	v8 =	vld [tilespmem:s31+$0xFFFFFF90]  }
0x76: {  	v9 =	vld.idx.msk [tilespmem:v0+s3+$0x0], $0xffff  }
0x77: {  	v10 =	vld.idx.msk [tilespmem:v1+s3+$0x0], $0xffff  }
0x78: {  	v5 =	vld.idx.msk [tilespmem:v2+s3+$0x0], $0xffff  }
0x79: {  	v3 =	vld.idx.msk [tilespmem:v3+s3+$0x0], $0xffff  }
0x7a: {  	v0 =	vld.idx.msk [tilespmem:v4+s3+$0x0], $0xffff  }
0x7b: {  	s18 =	simm.s32 $0x1C740;
	v1 =	vld.idx.msk [tilespmem:v6+s3+$0x0], $0xffff  }
0x7c: {  	v2 =	vld.idx.msk [tilespmem:v7+s3+$0x0], $0xffff;
	[tilespmem:s18+$0x30] =	vst v9  }
0x7d: {  	s19 =	simm.s32 $0x0;
	s20 =	simm.s32 $0x188F0;
	v4 =	vld.idx.msk [tilespmem:v8+s3+$0x0], $0xffff;
	[tilespmem:s18+$0xFFFFFFD0] =	vst v10  }
.LBB2_9:
0x7e: {  	v6 =	vld [tilespmem:s20+$0x0];
	s19 =	sadd.s32 $0x8, s19;
	[tilespmem:s18+$0xFFFFFFE0] =	vst v5  }
0x7f: {  	v5 =	vld [tilespmem:s20+$0xFFFFFFA0];
	p0 =	slt.u32 s19, $0x1F8;
	[tilespmem:s18+$0xFFFFFFF0] =	vst v3  }
0x80: {  	v3 =	vld [tilespmem:s20+$0xFFFFFFB0];
	[tilespmem:s18+$0x0] =	vst v0  }
0x81: {  	v0 =	vld [tilespmem:s20+$0xFFFFFFC0];
	[tilespmem:s18+$0x10] =	vst v1  }
0x82: {  	v1 =	vld [tilespmem:s20+$0xFFFFFFD0];
	[tilespmem:s18+$0x20] =	vst v2  }
0x83: {  	v2 =	vld [tilespmem:s20+$0xFFFFFFE0];
	[tilespmem:s18+$0xFFFFFFC0] =	vst v4  }
0x84: {  	v4 =	vld [tilespmem:s20+$0xFFFFFFF0]  }
0x85: {  	v7 =	vld [tilespmem:s20+$0xFFFFFF90]  }
0x86: {  	v6 =	vld.idx.msk [tilespmem:v6+s3+$0x0], $0xffff  }
0x87: {  	v8 =	vld.idx.msk [tilespmem:v5+s3+$0x0], $0xffff  }
0x88: {  	v5 =	vld.idx.msk [tilespmem:v3+s3+$0x0], $0xffff  }
.Ltmp4:
0x89: {  	v3 =	vld.idx.msk [tilespmem:v0+s3+$0x0], $0xffff;
	(pc) =	sbr.rel @p0 .LBB2_9-.Ltmp4, $4  }
0x8a: {  	v0 =	vld.idx.msk [tilespmem:v1+s3+$0x0], $0xffff  }
0x8b: {  	s18 =	sadd.s32 $0x80, s18;
	v1 =	vld.idx.msk [tilespmem:v2+s3+$0x0], $0xffff  }
0x8c: {  	v2 =	vld.idx.msk [tilespmem:v4+s3+$0x0], $0xffff;
	[tilespmem:s18+$0x30] =	vst v6  }
0x8d: {  	s20 =	sadd.s32 $0x100, s20;
	v4 =	vld.idx.msk [tilespmem:v7+s3+$0x0], $0xffff;
	[tilespmem:s18+$0xFFFFFFD0] =	vst v8  }
0x8e: {  	[tilespmem:s18+$0xFFFFFFE0] =	vst v5  }
0x8f: {  	[tilespmem:s18+$0xFFFFFFF0] =	vst v3  }
0x90: {  	[tilespmem:s18+$0x0] =	vst v0  }
0x91: {  	[tilespmem:s18+$0x10] =	vst v1  }
0x92: {  	[tilespmem:s18+$0x20] =	vst v2  }
0x93: {  	[tilespmem:s18+$0xFFFFFFC0] =	vst v4  }
0x94: {  	[hbm4b:s7+s12] =	stream.strided.scatter [tilespmem:s15], [sflag:$0x3], $0x2000, s13, s12, $0x38;
	[tilespmem:$0x1E700] =	vst v63  }
0x95: {  	s17 =	sadd.s32 $0x1, s17  }
0x96: {  	[hbm4b:s8+s12] =	stream.strided.scatter [tilespmem:s15], [sflag:$0x3], $0x2000, s13, s12, $0x38;
	[tilespmem:$0x1E700] =	vst v63  }
0x97: {  	p0 =	sne.s32 s17, s11;
	_ =	swait.ge [sflag:s16], $0x2000  }
.Ltmp5:
0x98: {  	[sflag:s16] =	ssyncset.done $0x0;
	(pc) =	sbr.rel @p0 .LBB2_2-.Ltmp5, $4  }
0x99: {  	[sflag:s16] =	ssyncadd.s32 $0xFFFFE000  }
0x9a: {  	_ =	swait.ge [sflag:s16], $0x2000  }
0x9b: {  	[sflag:s16] =	ssyncset.done $0x0  }
0x9c: {  	[sflag:s16] =	ssyncadd.s32 $0xFFFFE000  }
.LBB2_11:
0x9d: {  	_ =	sfence.sel $0x180000  }
0x9e: {  	[bflag:$0x0] =	sbarrier.arrive $0xFFFF  }
0x9f: {  	p0 =	sne.s32 s0, $0x0;
	_ =	strace $0x90000047  }
0xa0: {  	s0 =	sadd.s32 @!p0 $0x100000, s2;
	[bflag:$0x2] =	sbarrier.arrive $0xFFFF  }
0xa1: {  	[sflag:s0] =	ssyncadd.tile.s32 @!p0 $0x1;
	_ =	shalt  }
.Lfunc_end2:
_tile_overlayer_lowered:
.L_overlay_start_2:
0xa2: {  	(tag) =	ssettag $0x2  }
0xa3: {  	s0 =	rddreg [dreg:$0x0];
	s2 =	stileid.u32  }
0xa4: {  	s1 =	rddreg [dreg:$0x1];
	p0 =	sne.s32 s2, $0x0  }
0xa5: {  	s3 =	rddreg [dreg:$0x2];
	[bflag:$0x3] =	sbarrier.arrive $0xFFFF;
	s2 =	simm.s32 @!p0 $0x1C04  }
0xa6: {  	[timem:s3], [sflag:s2] =	dma.local @!p0 [hbm:s0], s1  }
0xa7: {  	s0 =	simm.s32 @!p0 $0x4  }
0xa8: {  	_ =	swait.ge @!p0 [sflag:s0], s1  }
0xa9: {  	s1 =	ssub.s32 @!p0 $0x0, s1;
	[sflag:s0] =	ssyncset.done @!p0 $0x0  }
0xaa: {  	[sflag:s0] =	ssyncadd.s32 @!p0 s1  }
0xab: {  	[bflag:$0x3] =	sbarrier.arrive $0xFFFF  }
0xac: {  	_ =	shalt  }

</sc_bundles>
